<compile_context>
chip_gen: v7x
topology: tpu7x:2x2x1
jax: 0.10.2.dev20260603
libtpu: 0.0.44.dev20260713+nightly
codegen_flags: <defaults>
</compile_context>

<pallas_src>
import functools

import jax
import jax.numpy as jnp
from jax import lax
from jax.experimental import pallas as pl
from jax.experimental.pallas import tpu as pltpu
from jax.experimental.pallas import tpu_sc as plsc

_NUM_EXPERTS = 64
_HIDDEN = 2048
_TOPK = 4
_TOKENS = 16384

_NC = 2
_NS = 16
_L = 16
_NW = _NC * _NS

_NCHUNK = 1
_CT = _TOKENS // _NCHUNK
_TPW = _CT // _NW

_BT = 1024
_SPB = _BT // _TPW



def _logits_body(hs1_ref, hs2_ref, w1_ref, w2_ref, b_ref, bt_ref, *rest):
    out_ref, outt_ref = rest[-2], rest[-1]
    dn = (((1,), (1,)), ((), ()))
    acc = lax.dot_general(
        hs1_ref[...], w1_ref[...], dimension_numbers=dn,
        preferred_element_type=jnp.float32,
    ) + lax.dot_general(
        hs2_ref[...], w2_ref[...], dimension_numbers=dn,
        preferred_element_type=jnp.float32,
    )
    out_ref[...] = acc + b_ref[...]
    acct = acc.T + bt_ref[...]
    for s in range(_SPB):
        outt_ref[s] = acct[:, s * _TPW : (s + 1) * _TPW]


def _make_logits_chunk(h):
    off = h * (_CT // _BT)
    hh = _HIDDEN // 2
    in_specs = [
        pl.BlockSpec((_BT, hh), lambda i: (i + off, 0)),
        pl.BlockSpec((_BT, hh), lambda i: (i + off, 1)),
        pl.BlockSpec((_NUM_EXPERTS, hh), lambda i: (0, 0)),
        pl.BlockSpec((_NUM_EXPERTS, hh), lambda i: (0, 1)),
        pl.BlockSpec((1, _NUM_EXPERTS), lambda i: (0, 0)),
        pl.BlockSpec((_NUM_EXPERTS, 1), lambda i: (0, 0)),
    ]
    aliases = {}
    if h > 0:
        in_specs.append(pl.BlockSpec(memory_space=pl.ANY))
        aliases = {6: 0}
    return pl.pallas_call(
        _logits_body,
        grid=(_CT // _BT,),
        in_specs=in_specs,
        out_specs=(
            pl.BlockSpec((_BT, _NUM_EXPERTS), lambda i: (i + off, 0)),
            pl.BlockSpec((_SPB, _NUM_EXPERTS, _TPW), lambda i: (i, 0, 0)),
        ),
        out_shape=(
            jax.ShapeDtypeStruct((_TOKENS, _NUM_EXPERTS), jnp.float32),
            jax.ShapeDtypeStruct((_NW, _NUM_EXPERTS, _TPW), jnp.float32),
        ),
        input_output_aliases=aliases,
    )


_logits_chunks = [_make_logits_chunk(h) for h in range(_NCHUNK)]


_mesh = plsc.VectorSubcoreMesh(
    core_axis_name="c", subcore_axis_name="s", num_cores=_NC, num_subcores=_NS
)


@functools.partial(
    pl.kernel,
    out_type=(
        jax.ShapeDtypeStruct((_NW, _TOPK, _TPW), jnp.float32),
        jax.ShapeDtypeStruct((_NW, _TOPK, _TPW), jnp.int32),
    ),
    mesh=_mesh,
    scratch_types=[
        pltpu.VMEM((_NUM_EXPERTS, _TPW), jnp.float32),
        pltpu.VMEM((_TOPK, _TPW), jnp.float32),
        pltpu.VMEM((_TOPK, _TPW), jnp.int32),
    ],
)
def _topk_softmax(logt_hbm, vals_hbm, idx_hbm, lg_v, val_v, idx_v):
    wid = lax.axis_index("s") * _NC + lax.axis_index("c")
    pltpu.sync_copy(logt_hbm.at[wid], lg_v)

    _GU = 2

    def group_body(g, carry):
        cols = [(g * _GU + u) * _L for u in range(_GU)]
        neg = jnp.full((_L,), -jnp.inf, jnp.float32)
        zi = jnp.zeros((_L,), jnp.int32)

        def expert_body(e, c):
            ei = jnp.full((_L,), e, jnp.int32)
            out = []
            for u in range(_GU):
                v1, v2, v3, v4, i1, i2, i3, i4 = c[u]
                v = lg_v[e, pl.ds(cols[u], _L)]
                b1 = v > v1
                b2 = v > v2
                b3 = v > v3
                b4 = v > v4
                nv1 = jnp.where(b1, v, v1)
                nv2 = jnp.where(b2, jnp.where(b1, v1, v), v2)
                nv3 = jnp.where(b3, jnp.where(b2, v2, v), v3)
                nv4 = jnp.where(b4, jnp.where(b3, v3, v), v4)
                ni1 = jnp.where(b1, ei, i1)
                ni2 = jnp.where(b2, jnp.where(b1, i1, ei), i2)
                ni3 = jnp.where(b3, jnp.where(b2, i2, ei), i3)
                ni4 = jnp.where(b4, jnp.where(b3, i3, ei), i4)
                out.append((nv1, nv2, nv3, nv4, ni1, ni2, ni3, ni4))
            return tuple(out)

        init = tuple((neg, neg, neg, neg, zi, zi, zi, zi) for _ in range(_GU))
        res = lax.fori_loop(0, _NUM_EXPERTS, expert_body, init)

        for u in range(_GU):
            v1, v2, v3, v4, i1, i2, i3, i4 = res[u]
            e2 = jnp.exp(v2 - v1)
            e3 = jnp.exp(v3 - v1)
            e4 = jnp.exp(v4 - v1)
            r = 1.0 / (1.0 + e2 + e3 + e4)
            for k, (vv, ii) in enumerate(
                ((r, i1), (e2 * r, i2), (e3 * r, i3), (e4 * r, i4))
            ):
                val_v[k, pl.ds(cols[u], _L)] = vv
                idx_v[k, pl.ds(cols[u], _L)] = ii
        return carry

    lax.fori_loop(0, _TPW // (_L * _GU), group_body, 0)

    pltpu.sync_copy(val_v, vals_hbm.at[wid])
    pltpu.sync_copy(idx_v, idx_hbm.at[wid])




def kernel(hidden_states, weight, bias):
    hs = hidden_states.reshape(-1, _HIDDEN)
    router_logits = None
    vt_chunks, it_chunks = [], []
    for h in range(_NCHUNK):
        args = (hs, hs, weight, weight, bias.reshape(1, _NUM_EXPERTS), bias.reshape(_NUM_EXPERTS, 1))
        if h > 0:
            args = args + (router_logits,)
        router_logits, lgt = _logits_chunks[h](*args)
        vt, it = _topk_softmax(lgt)
        vt_chunks.append(vt)
        it_chunks.append(it)
    vals_t = jnp.concatenate(vt_chunks, axis=0)
    idx_t = jnp.concatenate(it_chunks, axis=0)
    top_vals = vals_t.transpose(0, 2, 1).reshape(_TOKENS, _TOPK)
    top_idx = idx_t.transpose(0, 2, 1).reshape(_TOKENS, _TOPK)
    return (top_vals, top_idx, router_logits)

# --- scband reference (transcript-rebuilt; emitter-appended) ---
"""Pipeline reference for scband-hfgpt-oss-top-krouter-82197084111418 (READ-ONLY COPY).

The authoritative reference and input builder live on the scoring server;
editing this copy changes nothing except your own understanding.
"""

import jax, jax.numpy as jnp
import numpy as np

NUM_EXPERTS = 64
HIDDEN_DIM = 2048
TOP_K = 4
NUM_TOKENS = 16384


def setup_inputs(seed: int = 0) -> dict:
    key = jax.random.key(seed)
    k1, k2, k3 = jax.random.split(key, 3)
    hidden_states = jax.random.normal(k1, (NUM_TOKENS, HIDDEN_DIM), dtype=jnp.float32)
    weight = jax.random.normal(k2, (NUM_EXPERTS, HIDDEN_DIM), dtype=jnp.float32) * 0.02
    bias = jax.random.normal(k3, (NUM_EXPERTS,), dtype=jnp.float32) * 0.01
    return {"hidden_states": hidden_states, "weight": weight, "bias": bias}


def reference(hidden_states, weight, bias):
    # Faithful translation of HFGptOssTopKRouter.forward
    hs = hidden_states.reshape(-1, HIDDEN_DIM)
    router_logits = hs @ weight.T + bias  # F.linear
    router_top_value, router_indices = jax.lax.top_k(router_logits, TOP_K)
    router_top_value = jax.nn.softmax(router_top_value, axis=1)
    return (router_top_value, router_indices, router_logits)

if __name__ == "__main__":
    import jax
    _d = setup_inputs()
    print(jax.jit(kernel)(*tuple(_d.values())))

</pallas_src>

<mosaic_0001>
#map = affine_map<(d0, d1) -> (0, 0, 0)>
module attributes {stable_mosaic.version = 14 : i64} {
  func.func @_topk_softmax(%arg0: i32, %arg1: i32, %arg2: memref<32x64x512xf32, #tpu.memory_space<hbm>>, %arg3: memref<32x4x512xf32, #tpu.memory_space<hbm>>, %arg4: memref<32x4x512xi32, #tpu.memory_space<hbm>>, %arg5: memref<64x512xf32, #tpu.memory_space<vmem>>, %arg6: memref<4x512xf32, #tpu.memory_space<vmem>>, %arg7: memref<4x512xi32, #tpu.memory_space<vmem>>) attributes {dimension_semantics = [#tpu.dimension_semantics<core_parallel>, #tpu.dimension_semantics<subcore_parallel>], iteration_bounds = array<i64: 2, 16>, scalar_prefetch = 0 : i64, scratch_operands = 3 : i64, tpu.core_type = #tpu.core_type<sc_vector_subcore>, window_params = [{transform_indices = #map}, {transform_indices = #map}, {transform_indices = #map}]} {
    %mul3A = arith.constant 2 : i32
    %mul3A_0 = arith.muli %arg1, %mul3A : i32
    %add3A = arith.addi %mul3A_0, %arg0 : i32
    "tpu.region"() ({
      %run_scoped3A = tpu.sem_alloc : memref<!tpu.dma_semaphore, #tpu.memory_space<semaphore_mem>>
      %dma_start3A = arith.constant 0 : i32
      %dma_start3A_6 = arith.constant 0 : i32
      %dma_start3A_7 = tpu.memref_slice %arg2[%add3A, %dma_start3A, %dma_start3A_6] : memref<32x64x512xf32, #tpu.memory_space<hbm>> -> memref<1x64x512xf32, #tpu.memory_space<hbm>>
      %dma_start3A_8 = tpu.memref_squeeze %dma_start3A_7 : memref<1x64x512xf32, #tpu.memory_space<hbm>> -> memref<64x512xf32, #tpu.memory_space<hbm>>
      %dma_start3A_9 = arith.constant 0 : i32
      %dma_start3A_10 = arith.constant 0 : i32
      %dma_start3A_11 = tpu.memref_slice %arg2[%add3A, %dma_start3A_9, %dma_start3A_10] : memref<32x64x512xf32, #tpu.memory_space<hbm>> -> memref<1x64x512xf32, #tpu.memory_space<hbm>>
      %dma_start3A_12 = tpu.memref_squeeze %dma_start3A_11 : memref<1x64x512xf32, #tpu.memory_space<hbm>> -> memref<64x512xf32, #tpu.memory_space<hbm>>
      tpu.enqueue_dma source(%dma_start3A_12 : memref<64x512xf32, #tpu.memory_space<hbm>>) target(%arg5 : memref<64x512xf32, #tpu.memory_space<vmem>>) target_semaphore(%run_scoped3A : memref<!tpu.dma_semaphore, #tpu.memory_space<semaphore_mem>>)
      %dma_wait3A = arith.constant 0 : i32
      %dma_wait3A_13 = arith.constant 0 : i32
      %dma_wait3A_14 = tpu.memref_slice %arg2[%add3A, %dma_wait3A, %dma_wait3A_13] : memref<32x64x512xf32, #tpu.memory_space<hbm>> -> memref<1x64x512xf32, #tpu.memory_space<hbm>>
      %dma_wait3A_15 = tpu.memref_squeeze %dma_wait3A_14 : memref<1x64x512xf32, #tpu.memory_space<hbm>> -> memref<64x512xf32, #tpu.memory_space<hbm>>
      %dma_wait3A_16 = arith.constant 0 : i32
      %dma_wait3A_17 = arith.constant 0 : i32
      %dma_wait3A_18 = tpu.memref_slice %arg2[%add3A, %dma_wait3A_16, %dma_wait3A_17] : memref<32x64x512xf32, #tpu.memory_space<hbm>> -> memref<1x64x512xf32, #tpu.memory_space<hbm>>
      %dma_wait3A_19 = tpu.memref_squeeze %dma_wait3A_18 : memref<1x64x512xf32, #tpu.memory_space<hbm>> -> memref<64x512xf32, #tpu.memory_space<hbm>>
      tpu.wait_dma2 semaphore(%run_scoped3A : memref<!tpu.dma_semaphore, #tpu.memory_space<semaphore_mem>>) src(%dma_wait3A_19 : memref<64x512xf32, #tpu.memory_space<hbm>>) dst(%arg5 : memref<64x512xf32, #tpu.memory_space<vmem>>)
      tpu.yield
    }) : () -> ()
    %scan3A = arith.constant 0 : i32
    %scan3A_1 = arith.constant 0 : i32
    %scan3A_2 = arith.constant 16 : i32
    %scan3A_3 = arith.addi %scan3A_1, %scan3A_2 : i32
    %scan3A_4 = arith.constant 1 : i32
    scf.for %scan3A_6 = %scan3A_1 to %scan3A_3 step %scan3A_4  : i32 {
      %mul3A_7 = arith.constant 2 : i32
      %mul3A_8 = arith.muli %scan3A_6, %mul3A_7 : i32
      %add3A_9 = arith.constant 0 : i32
      %add3A_10 = arith.addi %mul3A_8, %add3A_9 : i32
      %mul3A_11 = arith.constant 16 : i32
      %mul3A_12 = arith.muli %add3A_10, %mul3A_11 : i32
      %mul3A_13 = arith.constant 2 : i32
      %mul3A_14 = arith.muli %scan3A_6, %mul3A_13 : i32
      %add3A_15 = arith.constant 1 : i32
      %add3A_16 = arith.addi %mul3A_14, %add3A_15 : i32
      %mul3A_17 = arith.constant 16 : i32
      %mul3A_18 = arith.muli %add3A_16, %mul3A_17 : i32
      %broadcast_in_dim3A = arith.constant 0xFF800000 : f32
      %broadcast_in_dim3A_19 = vector.broadcast %broadcast_in_dim3A : f32 to vector<16xf32>
      %broadcast_in_dim3A_20 = arith.constant 0 : i32
      %broadcast_in_dim3A_21 = vector.broadcast %broadcast_in_dim3A_20 : i32 to vector<16xi32>
      %scan3A_22 = arith.constant 0 : i32
      %scan3A_23 = arith.constant 64 : i32
      %scan3A_24 = arith.addi %scan3A_22, %scan3A_23 : i32
      %scan3A_25 = arith.constant 1 : i32
      %scan3A_26:16 = scf.for %scan3A_154 = %scan3A_22 to %scan3A_24 step %scan3A_25 iter_args(%scan3A_155 = %broadcast_in_dim3A_19, %scan3A_156 = %broadcast_in_dim3A_19, %scan3A_157 = %broadcast_in_dim3A_19, %scan3A_158 = %broadcast_in_dim3A_19, %scan3A_159 = %broadcast_in_dim3A_21, %scan3A_160 = %broadcast_in_dim3A_21, %scan3A_161 = %broadcast_in_dim3A_21, %scan3A_162 = %broadcast_in_dim3A_21, %scan3A_163 = %broadcast_in_dim3A_19, %scan3A_164 = %broadcast_in_dim3A_19, %scan3A_165 = %broadcast_in_dim3A_19, %scan3A_166 = %broadcast_in_dim3A_19, %scan3A_167 = %broadcast_in_dim3A_21, %scan3A_168 = %broadcast_in_dim3A_21, %scan3A_169 = %broadcast_in_dim3A_21, %scan3A_170 = %broadcast_in_dim3A_21) -> (vector<16xf32>, vector<16xf32>, vector<16xf32>, vector<16xf32>, vector<16xi32>, vector<16xi32>, vector<16xi32>, vector<16xi32>, vector<16xf32>, vector<16xf32>, vector<16xf32>, vector<16xf32>, vector<16xi32>, vector<16xi32>, vector<16xi32>, vector<16xi32>)  : i32 {
        %broadcast_in_dim3A_171 = vector.broadcast %scan3A_154 : i32 to vector<16xi32>
        %get3A = arith.index_cast %scan3A_154 : i32 to index
        %get3A_172 = arith.index_cast %mul3A_12 : i32 to index
        %get3A_173 = tpu.vector_load %arg5[%get3A, %get3A_172] {strides = array<i32>} : memref<64x512xf32, #tpu.memory_space<vmem>>, vector<1x16xf32>,
        %get3A_174 = vector.shape_cast %get3A_173 : vector<1x16xf32> to vector<16xf32>
        %gt3A = arith.cmpf ogt, %get3A_174, %scan3A_155 : vector<16xf32>
        %gt3A_175 = arith.cmpf ogt, %get3A_174, %scan3A_156 : vector<16xf32>
        %gt3A_176 = arith.cmpf ogt, %get3A_174, %scan3A_157 : vector<16xf32>
        %gt3A_177 = arith.cmpf ogt, %get3A_174, %scan3A_158 : vector<16xf32>
        %select_n3A = arith.select %gt3A, %get3A_174, %scan3A_155 : vector<16xi1>, vector<16xf32>
        %select_n3A_178 = arith.select %gt3A, %scan3A_155, %get3A_174 : vector<16xi1>, vector<16xf32>
        %select_n3A_179 = arith.select %gt3A_175, %select_n3A_178, %scan3A_156 : vector<16xi1>, vector<16xf32>
        %select_n3A_180 = arith.select %gt3A_175, %scan3A_156, %get3A_174 : vector<16xi1>, vector<16xf32>
        %select_n3A_181 = arith.select %gt3A_176, %select_n3A_180, %scan3A_157 : vector<16xi1>, vector<16xf32>
        %select_n3A_182 = arith.select %gt3A_176, %scan3A_157, %get3A_174 : vector<16xi1>, vector<16xf32>
        %select_n3A_183 = arith.select %gt3A_177, %select_n3A_182, %scan3A_158 : vector<16xi1>, vector<16xf32>
        %select_n3A_184 = arith.select %gt3A, %broadcast_in_dim3A_171, %scan3A_159 : vector<16xi1>, vector<16xi32>
        %select_n3A_185 = arith.select %gt3A, %scan3A_159, %broadcast_in_dim3A_171 : vector<16xi1>, vector<16xi32>
        %select_n3A_186 = arith.select %gt3A_175, %select_n3A_185, %scan3A_160 : vector<16xi1>, vector<16xi32>
        %select_n3A_187 = arith.select %gt3A_175, %scan3A_160, %broadcast_in_dim3A_171 : vector<16xi1>, vector<16xi32>
        %select_n3A_188 = arith.select %gt3A_176, %select_n3A_187, %scan3A_161 : vector<16xi1>, vector<16xi32>
        %select_n3A_189 = arith.select %gt3A_176, %scan3A_161, %broadcast_in_dim3A_171 : vector<16xi1>, vector<16xi32>
        %select_n3A_190 = arith.select %gt3A_177, %select_n3A_189, %scan3A_162 : vector<16xi1>, vector<16xi32>
        %get3A_191 = arith.index_cast %scan3A_154 : i32 to index
        %get3A_192 = arith.index_cast %mul3A_18 : i32 to index
        %get3A_193 = tpu.vector_load %arg5[%get3A_191, %get3A_192] {strides = array<i32>} : memref<64x512xf32, #tpu.memory_space<vmem>>, vector<1x16xf32>,
        %get3A_194 = vector.shape_cast %get3A_193 : vector<1x16xf32> to vector<16xf32>
        %gt3A_195 = arith.cmpf ogt, %get3A_194, %scan3A_163 : vector<16xf32>
        %gt3A_196 = arith.cmpf ogt, %get3A_194, %scan3A_164 : vector<16xf32>
        %gt3A_197 = arith.cmpf ogt, %get3A_194, %scan3A_165 : vector<16xf32>
        %gt3A_198 = arith.cmpf ogt, %get3A_194, %scan3A_166 : vector<16xf32>
        %select_n3A_199 = arith.select %gt3A_195, %get3A_194, %scan3A_163 : vector<16xi1>, vector<16xf32>
        %select_n3A_200 = arith.select %gt3A_195, %scan3A_163, %get3A_194 : vector<16xi1>, vector<16xf32>
        %select_n3A_201 = arith.select %gt3A_196, %select_n3A_200, %scan3A_164 : vector<16xi1>, vector<16xf32>
        %select_n3A_202 = arith.select %gt3A_196, %scan3A_164, %get3A_194 : vector<16xi1>, vector<16xf32>
        %select_n3A_203 = arith.select %gt3A_197, %select_n3A_202, %scan3A_165 : vector<16xi1>, vector<16xf32>
        %select_n3A_204 = arith.select %gt3A_197, %scan3A_165, %get3A_194 : vector<16xi1>, vector<16xf32>
        %select_n3A_205 = arith.select %gt3A_198, %select_n3A_204, %scan3A_166 : vector<16xi1>, vector<16xf32>
        %select_n3A_206 = arith.select %gt3A_195, %broadcast_in_dim3A_171, %scan3A_167 : vector<16xi1>, vector<16xi32>
        %select_n3A_207 = arith.select %gt3A_195, %scan3A_167, %broadcast_in_dim3A_171 : vector<16xi1>, vector<16xi32>
        %select_n3A_208 = arith.select %gt3A_196, %select_n3A_207, %scan3A_168 : vector<16xi1>, vector<16xi32>
        %select_n3A_209 = arith.select %gt3A_196, %scan3A_168, %broadcast_in_dim3A_171 : vector<16xi1>, vector<16xi32>
        %select_n3A_210 = arith.select %gt3A_197, %select_n3A_209, %scan3A_169 : vector<16xi1>, vector<16xi32>
        %select_n3A_211 = arith.select %gt3A_197, %scan3A_169, %broadcast_in_dim3A_171 : vector<16xi1>, vector<16xi32>
        %select_n3A_212 = arith.select %gt3A_198, %select_n3A_211, %scan3A_170 : vector<16xi1>, vector<16xi32>
        scf.yield %select_n3A, %select_n3A_179, %select_n3A_181, %select_n3A_183, %select_n3A_184, %select_n3A_186, %select_n3A_188, %select_n3A_190, %select_n3A_199, %select_n3A_201, %select_n3A_203, %select_n3A_205, %select_n3A_206, %select_n3A_208, %select_n3A_210, %select_n3A_212 : vector<16xf32>, vector<16xf32>, vector<16xf32>, vector<16xf32>, vector<16xi32>, vector<16xi32>, vector<16xi32>, vector<16xi32>, vector<16xf32>, vector<16xf32>, vector<16xf32>, vector<16xf32>, vector<16xi32>, vector<16xi32>, vector<16xi32>, vector<16xi32>
      }
      %scan3A_27 = arith.constant 64 : i32
      %sub3A = arith.subf %scan3A_26#1, %scan3A_26#0 : vector<16xf32>
      %exp3A = math.exp %sub3A : vector<16xf32>
      %sub3A_28 = arith.subf %scan3A_26#2, %scan3A_26#0 : vector<16xf32>
      %exp3A_29 = math.exp %sub3A_28 : vector<16xf32>
      %sub3A_30 = arith.subf %scan3A_26#3, %scan3A_26#0 : vector<16xf32>
      %exp3A_31 = math.exp %sub3A_30 : vector<16xf32>
      %add3A_32 = arith.constant 1.000000e+00 : f32
      %add3A_33 = vector.broadcast %add3A_32 : f32 to vector<16xf32>
      %add3A_34 = arith.addf %add3A_33, %exp3A : vector<16xf32>
      %add3A_35 = arith.addf %add3A_34, %exp3A_29 : vector<16xf32>
      %add3A_36 = arith.addf %add3A_35, %exp3A_31 : vector<16xf32>
      %div3A = arith.constant 1.000000e+00 : f32
      %div3A_37 = vector.broadcast %div3A : f32 to vector<16xf32>
      %div3A_38 = arith.divf %div3A_37, %add3A_36 : vector<16xf32>
      %mul3A_39 = arith.mulf %exp3A, %div3A_38 : vector<16xf32>
      %mul3A_40 = arith.mulf %exp3A_29, %div3A_38 : vector<16xf32>
      %mul3A_41 = arith.mulf %exp3A_31, %div3A_38 : vector<16xf32>
      %swap3A = arith.constant 0 : i32
      %swap3A_42 = arith.index_cast %swap3A : i32 to index
      %swap3A_43 = arith.index_cast %mul3A_12 : i32 to index
      %swap3A_44 = tpu.vector_load %arg6[%swap3A_42, %swap3A_43] {strides = array<i32>} : memref<4x512xf32, #tpu.memory_space<vmem>>, vector<1x16xf32>,
      %swap3A_45 = vector.shape_cast %swap3A_44 : vector<1x16xf32> to vector<16xf32>
      %swap3A_46 = vector.shape_cast %div3A_38 : vector<16xf32> to vector<1x16xf32>
      tpu.vector_store %arg6[%swap3A_42, %swap3A_43], %swap3A_46 {strides = array<i32>} : memref<4x512xf32, #tpu.memory_space<vmem>>, vector<1x16xf32>,
      %swap3A_47 = arith.constant 0 : i32
      %swap3A_48 = arith.index_cast %swap3A_47 : i32 to index
      %swap3A_49 = arith.index_cast %mul3A_12 : i32 to index
      %swap3A_50 = tpu.vector_load %arg7[%swap3A_48, %swap3A_49] {strides = array<i32>} : memref<4x512xi32, #tpu.memory_space<vmem>>, vector<1x16xi32>,
      %swap3A_51 = vector.shape_cast %swap3A_50 : vector<1x16xi32> to vector<16xi32>
      %swap3A_52 = vector.shape_cast %scan3A_26#4 : vector<16xi32> to vector<1x16xi32>
      tpu.vector_store %arg7[%swap3A_48, %swap3A_49], %swap3A_52 {strides = array<i32>} : memref<4x512xi32, #tpu.memory_space<vmem>>, vector<1x16xi32>,
      %swap3A_53 = arith.constant 1 : i32
      %swap3A_54 = arith.index_cast %swap3A_53 : i32 to index
      %swap3A_55 = arith.index_cast %mul3A_12 : i32 to index
      %swap3A_56 = tpu.vector_load %arg6[%swap3A_54, %swap3A_55] {strides = array<i32>} : memref<4x512xf32, #tpu.memory_space<vmem>>, vector<1x16xf32>,
      %swap3A_57 = vector.shape_cast %swap3A_56 : vector<1x16xf32> to vector<16xf32>
      %swap3A_58 = vector.shape_cast %mul3A_39 : vector<16xf32> to vector<1x16xf32>
      tpu.vector_store %arg6[%swap3A_54, %swap3A_55], %swap3A_58 {strides = array<i32>} : memref<4x512xf32, #tpu.memory_space<vmem>>, vector<1x16xf32>,
      %swap3A_59 = arith.constant 1 : i32
      %swap3A_60 = arith.index_cast %swap3A_59 : i32 to index
      %swap3A_61 = arith.index_cast %mul3A_12 : i32 to index
      %swap3A_62 = tpu.vector_load %arg7[%swap3A_60, %swap3A_61] {strides = array<i32>} : memref<4x512xi32, #tpu.memory_space<vmem>>, vector<1x16xi32>,
      %swap3A_63 = vector.shape_cast %swap3A_62 : vector<1x16xi32> to vector<16xi32>
      %swap3A_64 = vector.shape_cast %scan3A_26#5 : vector<16xi32> to vector<1x16xi32>
      tpu.vector_store %arg7[%swap3A_60, %swap3A_61], %swap3A_64 {strides = array<i32>} : memref<4x512xi32, #tpu.memory_space<vmem>>, vector<1x16xi32>,
      %swap3A_65 = arith.constant 2 : i32
      %swap3A_66 = arith.index_cast %swap3A_65 : i32 to index
      %swap3A_67 = arith.index_cast %mul3A_12 : i32 to index
      %swap3A_68 = tpu.vector_load %arg6[%swap3A_66, %swap3A_67] {strides = array<i32>} : memref<4x512xf32, #tpu.memory_space<vmem>>, vector<1x16xf32>,
      %swap3A_69 = vector.shape_cast %swap3A_68 : vector<1x16xf32> to vector<16xf32>
      %swap3A_70 = vector.shape_cast %mul3A_40 : vector<16xf32> to vector<1x16xf32>
      tpu.vector_store %arg6[%swap3A_66, %swap3A_67], %swap3A_70 {strides = array<i32>} : memref<4x512xf32, #tpu.memory_space<vmem>>, vector<1x16xf32>,
      %swap3A_71 = arith.constant 2 : i32
      %swap3A_72 = arith.index_cast %swap3A_71 : i32 to index
      %swap3A_73 = arith.index_cast %mul3A_12 : i32 to index
      %swap3A_74 = tpu.vector_load %arg7[%swap3A_72, %swap3A_73] {strides = array<i32>} : memref<4x512xi32, #tpu.memory_space<vmem>>, vector<1x16xi32>,
      %swap3A_75 = vector.shape_cast %swap3A_74 : vector<1x16xi32> to vector<16xi32>
      %swap3A_76 = vector.shape_cast %scan3A_26#6 : vector<16xi32> to vector<1x16xi32>
      tpu.vector_store %arg7[%swap3A_72, %swap3A_73], %swap3A_76 {strides = array<i32>} : memref<4x512xi32, #tpu.memory_space<vmem>>, vector<1x16xi32>,
      %swap3A_77 = arith.constant 3 : i32
      %swap3A_78 = arith.index_cast %swap3A_77 : i32 to index
      %swap3A_79 = arith.index_cast %mul3A_12 : i32 to index
      %swap3A_80 = tpu.vector_load %arg6[%swap3A_78, %swap3A_79] {strides = array<i32>} : memref<4x512xf32, #tpu.memory_space<vmem>>, vector<1x16xf32>,
      %swap3A_81 = vector.shape_cast %swap3A_80 : vector<1x16xf32> to vector<16xf32>
      %swap3A_82 = vector.shape_cast %mul3A_41 : vector<16xf32> to vector<1x16xf32>
      tpu.vector_store %arg6[%swap3A_78, %swap3A_79], %swap3A_82 {strides = array<i32>} : memref<4x512xf32, #tpu.memory_space<vmem>>, vector<1x16xf32>,
      %swap3A_83 = arith.constant 3 : i32
      %swap3A_84 = arith.index_cast %swap3A_83 : i32 to index
      %swap3A_85 = arith.index_cast %mul3A_12 : i32 to index
      %swap3A_86 = tpu.vector_load %arg7[%swap3A_84, %swap3A_85] {strides = array<i32>} : memref<4x512xi32, #tpu.memory_space<vmem>>, vector<1x16xi32>,
      %swap3A_87 = vector.shape_cast %swap3A_86 : vector<1x16xi32> to vector<16xi32>
      %swap3A_88 = vector.shape_cast %scan3A_26#7 : vector<16xi32> to vector<1x16xi32>
      tpu.vector_store %arg7[%swap3A_84, %swap3A_85], %swap3A_88 {strides = array<i32>} : memref<4x512xi32, #tpu.memory_space<vmem>>, vector<1x16xi32>,
      %sub3A_89 = arith.subf %scan3A_26#9, %scan3A_26#8 : vector<16xf32>
      %exp3A_90 = math.exp %sub3A_89 : vector<16xf32>
      %sub3A_91 = arith.subf %scan3A_26#10, %scan3A_26#8 : vector<16xf32>
      %exp3A_92 = math.exp %sub3A_91 : vector<16xf32>
      %sub3A_93 = arith.subf %scan3A_26#11, %scan3A_26#8 : vector<16xf32>
      %exp3A_94 = math.exp %sub3A_93 : vector<16xf32>
      %add3A_95 = arith.constant 1.000000e+00 : f32
      %add3A_96 = vector.broadcast %add3A_95 : f32 to vector<16xf32>
      %add3A_97 = arith.addf %add3A_96, %exp3A_90 : vector<16xf32>
      %add3A_98 = arith.addf %add3A_97, %exp3A_92 : vector<16xf32>
      %add3A_99 = arith.addf %add3A_98, %exp3A_94 : vector<16xf32>
      %div3A_100 = arith.constant 1.000000e+00 : f32
      %div3A_101 = vector.broadcast %div3A_100 : f32 to vector<16xf32>
      %div3A_102 = arith.divf %div3A_101, %add3A_99 : vector<16xf32>
      %mul3A_103 = arith.mulf %exp3A_90, %div3A_102 : vector<16xf32>
      %mul3A_104 = arith.mulf %exp3A_92, %div3A_102 : vector<16xf32>
      %mul3A_105 = arith.mulf %exp3A_94, %div3A_102 : vector<16xf32>
      %swap3A_106 = arith.constant 0 : i32
      %swap3A_107 = arith.index_cast %swap3A_106 : i32 to index
      %swap3A_108 = arith.index_cast %mul3A_18 : i32 to index
      %swap3A_109 = tpu.vector_load %arg6[%swap3A_107, %swap3A_108] {strides = array<i32>} : memref<4x512xf32, #tpu.memory_space<vmem>>, vector<1x16xf32>,
      %swap3A_110 = vector.shape_cast %swap3A_109 : vector<1x16xf32> to vector<16xf32>
      %swap3A_111 = vector.shape_cast %div3A_102 : vector<16xf32> to vector<1x16xf32>
      tpu.vector_store %arg6[%swap3A_107, %swap3A_108], %swap3A_111 {strides = array<i32>} : memref<4x512xf32, #tpu.memory_space<vmem>>, vector<1x16xf32>,
      %swap3A_112 = arith.constant 0 : i32
      %swap3A_113 = arith.index_cast %swap3A_112 : i32 to index
      %swap3A_114 = arith.index_cast %mul3A_18 : i32 to index
      %swap3A_115 = tpu.vector_load %arg7[%swap3A_113, %swap3A_114] {strides = array<i32>} : memref<4x512xi32, #tpu.memory_space<vmem>>, vector<1x16xi32>,
      %swap3A_116 = vector.shape_cast %swap3A_115 : vector<1x16xi32> to vector<16xi32>
      %swap3A_117 = vector.shape_cast %scan3A_26#12 : vector<16xi32> to vector<1x16xi32>
      tpu.vector_store %arg7[%swap3A_113, %swap3A_114], %swap3A_117 {strides = array<i32>} : memref<4x512xi32, #tpu.memory_space<vmem>>, vector<1x16xi32>,
      %swap3A_118 = arith.constant 1 : i32
      %swap3A_119 = arith.index_cast %swap3A_118 : i32 to index
      %swap3A_120 = arith.index_cast %mul3A_18 : i32 to index
      %swap3A_121 = tpu.vector_load %arg6[%swap3A_119, %swap3A_120] {strides = array<i32>} : memref<4x512xf32, #tpu.memory_space<vmem>>, vector<1x16xf32>,
      %swap3A_122 = vector.shape_cast %swap3A_121 : vector<1x16xf32> to vector<16xf32>
      %swap3A_123 = vector.shape_cast %mul3A_103 : vector<16xf32> to vector<1x16xf32>
      tpu.vector_store %arg6[%swap3A_119, %swap3A_120], %swap3A_123 {strides = array<i32>} : memref<4x512xf32, #tpu.memory_space<vmem>>, vector<1x16xf32>,
      %swap3A_124 = arith.constant 1 : i32
      %swap3A_125 = arith.index_cast %swap3A_124 : i32 to index
      %swap3A_126 = arith.index_cast %mul3A_18 : i32 to index
      %swap3A_127 = tpu.vector_load %arg7[%swap3A_125, %swap3A_126] {strides = array<i32>} : memref<4x512xi32, #tpu.memory_space<vmem>>, vector<1x16xi32>,
      %swap3A_128 = vector.shape_cast %swap3A_127 : vector<1x16xi32> to vector<16xi32>
      %swap3A_129 = vector.shape_cast %scan3A_26#13 : vector<16xi32> to vector<1x16xi32>
      tpu.vector_store %arg7[%swap3A_125, %swap3A_126], %swap3A_129 {strides = array<i32>} : memref<4x512xi32, #tpu.memory_space<vmem>>, vector<1x16xi32>,
      %swap3A_130 = arith.constant 2 : i32
      %swap3A_131 = arith.index_cast %swap3A_130 : i32 to index
      %swap3A_132 = arith.index_cast %mul3A_18 : i32 to index
      %swap3A_133 = tpu.vector_load %arg6[%swap3A_131, %swap3A_132] {strides = array<i32>} : memref<4x512xf32, #tpu.memory_space<vmem>>, vector<1x16xf32>,
      %swap3A_134 = vector.shape_cast %swap3A_133 : vector<1x16xf32> to vector<16xf32>
      %swap3A_135 = vector.shape_cast %mul3A_104 : vector<16xf32> to vector<1x16xf32>
      tpu.vector_store %arg6[%swap3A_131, %swap3A_132], %swap3A_135 {strides = array<i32>} : memref<4x512xf32, #tpu.memory_space<vmem>>, vector<1x16xf32>,
      %swap3A_136 = arith.constant 2 : i32
      %swap3A_137 = arith.index_cast %swap3A_136 : i32 to index
      %swap3A_138 = arith.index_cast %mul3A_18 : i32 to index
      %swap3A_139 = tpu.vector_load %arg7[%swap3A_137, %swap3A_138] {strides = array<i32>} : memref<4x512xi32, #tpu.memory_space<vmem>>, vector<1x16xi32>,
      %swap3A_140 = vector.shape_cast %swap3A_139 : vector<1x16xi32> to vector<16xi32>
      %swap3A_141 = vector.shape_cast %scan3A_26#14 : vector<16xi32> to vector<1x16xi32>
      tpu.vector_store %arg7[%swap3A_137, %swap3A_138], %swap3A_141 {strides = array<i32>} : memref<4x512xi32, #tpu.memory_space<vmem>>, vector<1x16xi32>,
      %swap3A_142 = arith.constant 3 : i32
      %swap3A_143 = arith.index_cast %swap3A_142 : i32 to index
      %swap3A_144 = arith.index_cast %mul3A_18 : i32 to index
      %swap3A_145 = tpu.vector_load %arg6[%swap3A_143, %swap3A_144] {strides = array<i32>} : memref<4x512xf32, #tpu.memory_space<vmem>>, vector<1x16xf32>,
      %swap3A_146 = vector.shape_cast %swap3A_145 : vector<1x16xf32> to vector<16xf32>
      %swap3A_147 = vector.shape_cast %mul3A_105 : vector<16xf32> to vector<1x16xf32>
      tpu.vector_store %arg6[%swap3A_143, %swap3A_144], %swap3A_147 {strides = array<i32>} : memref<4x512xf32, #tpu.memory_space<vmem>>, vector<1x16xf32>,
      %swap3A_148 = arith.constant 3 : i32
      %swap3A_149 = arith.index_cast %swap3A_148 : i32 to index
      %swap3A_150 = arith.index_cast %mul3A_18 : i32 to index
      %swap3A_151 = tpu.vector_load %arg7[%swap3A_149, %swap3A_150] {strides = array<i32>} : memref<4x512xi32, #tpu.memory_space<vmem>>, vector<1x16xi32>,
      %swap3A_152 = vector.shape_cast %swap3A_151 : vector<1x16xi32> to vector<16xi32>
      %swap3A_153 = vector.shape_cast %scan3A_26#15 : vector<16xi32> to vector<1x16xi32>
      tpu.vector_store %arg7[%swap3A_149, %swap3A_150], %swap3A_153 {strides = array<i32>} : memref<4x512xi32, #tpu.memory_space<vmem>>, vector<1x16xi32>,
    }
    %scan3A_5 = arith.constant 16 : i32
    "tpu.region"() ({
      %run_scoped3A = tpu.sem_alloc : memref<!tpu.dma_semaphore, #tpu.memory_space<semaphore_mem>>
      %dma_start3A = arith.constant 0 : i32
      %dma_start3A_6 = arith.constant 0 : i32
      %dma_start3A_7 = tpu.memref_slice %arg3[%add3A, %dma_start3A, %dma_start3A_6] : memref<32x4x512xf32, #tpu.memory_space<hbm>> -> memref<1x4x512xf32, #tpu.memory_space<hbm>>
      %dma_start3A_8 = tpu.memref_squeeze %dma_start3A_7 : memref<1x4x512xf32, #tpu.memory_space<hbm>> -> memref<4x512xf32, #tpu.memory_space<hbm>>
      %dma_start3A_9 = arith.constant 0 : i32
      %dma_start3A_10 = arith.constant 0 : i32
      %dma_start3A_11 = tpu.memref_slice %arg3[%add3A, %dma_start3A_9, %dma_start3A_10] : memref<32x4x512xf32, #tpu.memory_space<hbm>> -> memref<1x4x512xf32, #tpu.memory_space<hbm>>
      %dma_start3A_12 = tpu.memref_squeeze %dma_start3A_11 : memref<1x4x512xf32, #tpu.memory_space<hbm>> -> memref<4x512xf32, #tpu.memory_space<hbm>>
      tpu.enqueue_dma source(%arg6 : memref<4x512xf32, #tpu.memory_space<vmem>>) target(%dma_start3A_12 : memref<4x512xf32, #tpu.memory_space<hbm>>) target_semaphore(%run_scoped3A : memref<!tpu.dma_semaphore, #tpu.memory_space<semaphore_mem>>)
      %dma_wait3A = arith.constant 0 : i32
      %dma_wait3A_13 = arith.constant 0 : i32
      %dma_wait3A_14 = tpu.memref_slice %arg3[%add3A, %dma_wait3A, %dma_wait3A_13] : memref<32x4x512xf32, #tpu.memory_space<hbm>> -> memref<1x4x512xf32, #tpu.memory_space<hbm>>
      %dma_wait3A_15 = tpu.memref_squeeze %dma_wait3A_14 : memref<1x4x512xf32, #tpu.memory_space<hbm>> -> memref<4x512xf32, #tpu.memory_space<hbm>>
      %dma_wait3A_16 = arith.constant 0 : i32
      %dma_wait3A_17 = arith.constant 0 : i32
      %dma_wait3A_18 = tpu.memref_slice %arg3[%add3A, %dma_wait3A_16, %dma_wait3A_17] : memref<32x4x512xf32, #tpu.memory_space<hbm>> -> memref<1x4x512xf32, #tpu.memory_space<hbm>>
      %dma_wait3A_19 = tpu.memref_squeeze %dma_wait3A_18 : memref<1x4x512xf32, #tpu.memory_space<hbm>> -> memref<4x512xf32, #tpu.memory_space<hbm>>
      tpu.wait_dma2 semaphore(%run_scoped3A : memref<!tpu.dma_semaphore, #tpu.memory_space<semaphore_mem>>) src(%arg6 : memref<4x512xf32, #tpu.memory_space<vmem>>) dst(%dma_wait3A_19 : memref<4x512xf32, #tpu.memory_space<hbm>>)
      tpu.yield
    }) : () -> ()
    "tpu.region"() ({
      %run_scoped3A = tpu.sem_alloc : memref<!tpu.dma_semaphore, #tpu.memory_space<semaphore_mem>>
      %dma_start3A = arith.constant 0 : i32
      %dma_start3A_6 = arith.constant 0 : i32
      %dma_start3A_7 = tpu.memref_slice %arg4[%add3A, %dma_start3A, %dma_start3A_6] : memref<32x4x512xi32, #tpu.memory_space<hbm>> -> memref<1x4x512xi32, #tpu.memory_space<hbm>>
      %dma_start3A_8 = tpu.memref_squeeze %dma_start3A_7 : memref<1x4x512xi32, #tpu.memory_space<hbm>> -> memref<4x512xi32, #tpu.memory_space<hbm>>
      %dma_start3A_9 = arith.constant 0 : i32
      %dma_start3A_10 = arith.constant 0 : i32
      %dma_start3A_11 = tpu.memref_slice %arg4[%add3A, %dma_start3A_9, %dma_start3A_10] : memref<32x4x512xi32, #tpu.memory_space<hbm>> -> memref<1x4x512xi32, #tpu.memory_space<hbm>>
      %dma_start3A_12 = tpu.memref_squeeze %dma_start3A_11 : memref<1x4x512xi32, #tpu.memory_space<hbm>> -> memref<4x512xi32, #tpu.memory_space<hbm>>
      tpu.enqueue_dma source(%arg7 : memref<4x512xi32, #tpu.memory_space<vmem>>) target(%dma_start3A_12 : memref<4x512xi32, #tpu.memory_space<hbm>>) target_semaphore(%run_scoped3A : memref<!tpu.dma_semaphore, #tpu.memory_space<semaphore_mem>>)
      %dma_wait3A = arith.constant 0 : i32
      %dma_wait3A_13 = arith.constant 0 : i32
      %dma_wait3A_14 = tpu.memref_slice %arg4[%add3A, %dma_wait3A, %dma_wait3A_13] : memref<32x4x512xi32, #tpu.memory_space<hbm>> -> memref<1x4x512xi32, #tpu.memory_space<hbm>>
      %dma_wait3A_15 = tpu.memref_squeeze %dma_wait3A_14 : memref<1x4x512xi32, #tpu.memory_space<hbm>> -> memref<4x512xi32, #tpu.memory_space<hbm>>
      %dma_wait3A_16 = arith.constant 0 : i32
      %dma_wait3A_17 = arith.constant 0 : i32
      %dma_wait3A_18 = tpu.memref_slice %arg4[%add3A, %dma_wait3A_16, %dma_wait3A_17] : memref<32x4x512xi32, #tpu.memory_space<hbm>> -> memref<1x4x512xi32, #tpu.memory_space<hbm>>
      %dma_wait3A_19 = tpu.memref_squeeze %dma_wait3A_18 : memref<1x4x512xi32, #tpu.memory_space<hbm>> -> memref<4x512xi32, #tpu.memory_space<hbm>>
      tpu.wait_dma2 semaphore(%run_scoped3A : memref<!tpu.dma_semaphore, #tpu.memory_space<semaphore_mem>>) src(%arg7 : memref<4x512xi32, #tpu.memory_space<vmem>>) dst(%dma_wait3A_19 : memref<4x512xi32, #tpu.memory_space<hbm>>)
      tpu.yield
    }) : () -> ()
    return
  }
}

module attributes {stable_mosaic.version = 14 : i64} {
  func.func @_logits_body(%arg0: i32, %arg1: memref<1024x1024xf32, #tpu.memory_space<vmem>>, %arg2: memref<1024x1024xf32, #tpu.memory_space<vmem>>, %arg3: memref<64x1024xf32, #tpu.memory_space<vmem>>, %arg4: memref<64x1024xf32, #tpu.memory_space<vmem>>, %arg5: memref<1x64xf32, #tpu.memory_space<vmem>>, %arg6: memref<64x1xf32, #tpu.memory_space<vmem>>, %arg7: memref<1024x64xf32, #tpu.memory_space<vmem>>, %arg8: memref<2x64x512xf32, #tpu.memory_space<vmem>>) attributes {dimension_semantics = [#tpu.dimension_semantics<arbitrary>], iteration_bounds = array<i64: 16>, scalar_prefetch = 0 : i64, scratch_operands = 0 : i64, tpu.core_type = #tpu.core_type<tc>, window_params = [{transform_indices = @transform_0, window_bounds = array<i64: 1024, 1024>}, {transform_indices = @transform_1, window_bounds = array<i64: 1024, 1024>}, {transform_indices = @transform_2, window_bounds = array<i64: 64, 1024>}, {transform_indices = @transform_3, window_bounds = array<i64: 64, 1024>}, {pipeline_mode = #tpu.pipeline_mode<synchronous>, transform_indices = @transform_4, window_bounds = array<i64: 1, 64>}, {pipeline_mode = #tpu.pipeline_mode<synchronous>, transform_indices = @transform_5, window_bounds = array<i64: 64, 1>}, {transform_indices = @transform_6, window_bounds = array<i64: 1024, 64>}, {transform_indices = @transform_7, window_bounds = array<i64: 2, 64, 512>}]} {
    %get3A = arith.constant 0 : index
    %get3A_0 = arith.constant 0 : index
    %get3A_1 = vector.load %arg1[%get3A, %get3A_0] : memref<1024x1024xf32, #tpu.memory_space<vmem>>, vector<1024x1024xf32>
    %get3A_2 = arith.constant 0 : index
    %get3A_3 = arith.constant 0 : index
    %get3A_4 = vector.load %arg3[%get3A_2, %get3A_3] : memref<64x1024xf32, #tpu.memory_space<vmem>>, vector<64x1024xf32>
    %dot_general3A = arith.constant dense<0.000000e+00> : vector<1024x64xf32>
    %dot_general3A_5 = tpu.matmul %get3A_1, %get3A_4, %dot_general3A {dimension_numbers = #tpu.dot_dimension_numbers<[1], [1], [0], [0], [0, 0, 1, 0], [], []>, transpose_lhs_hint = false} : vector<1024x1024xf32>, vector<64x1024xf32>, vector<1024x64xf32> -> vector<1024x64xf32>
    %get3A_6 = arith.constant 0 : index
    %get3A_7 = arith.constant 0 : index
    %get3A_8 = vector.load %arg2[%get3A_6, %get3A_7] : memref<1024x1024xf32, #tpu.memory_space<vmem>>, vector<1024x1024xf32>
    %get3A_9 = arith.constant 0 : index
    %get3A_10 = arith.constant 0 : index
    %get3A_11 = vector.load %arg4[%get3A_9, %get3A_10] : memref<64x1024xf32, #tpu.memory_space<vmem>>, vector<64x1024xf32>
    %dot_general3A_12 = arith.constant dense<0.000000e+00> : vector<1024x64xf32>
    %dot_general3A_13 = tpu.matmul %get3A_8, %get3A_11, %dot_general3A_12 {dimension_numbers = #tpu.dot_dimension_numbers<[1], [1], [0], [0], [0, 0, 1, 0], [], []>, transpose_lhs_hint = false} : vector<1024x1024xf32>, vector<64x1024xf32>, vector<1024x64xf32> -> vector<1024x64xf32>
    %add3A = arith.addf %dot_general3A_5, %dot_general3A_13 : vector<1024x64xf32>
    %get3A_14 = arith.constant 0 : index
    %get3A_15 = arith.constant 0 : index
    %get3A_16 = vector.load %arg5[%get3A_14, %get3A_15] : memref<1x64xf32, #tpu.memory_space<vmem>>, vector<1x64xf32>
    %add3A_17 = vector.broadcast %get3A_16 : vector<1x64xf32> to vector<1024x64xf32>
    %add3A_18 = arith.addf %add3A, %add3A_17 : vector<1024x64xf32>
    %swap3A = arith.constant 0 : index
    %swap3A_19 = arith.constant 0 : index
    %swap3A_20 = vector.load %arg7[%swap3A, %swap3A_19] : memref<1024x64xf32, #tpu.memory_space<vmem>>, vector<1024x64xf32>
    tpu.vector_store %arg7[%swap3A, %swap3A_19], %add3A_18 {strides = array<i32>} : memref<1024x64xf32, #tpu.memory_space<vmem>>, vector<1024x64xf32>,
    %transpose3A = tpu.transpose %add3A, [1, 0] : vector<1024x64xf32> -> vector<64x1024xf32>
    %get3A_21 = arith.constant 0 : index
    %get3A_22 = arith.constant 0 : index
    %get3A_23 = vector.load %arg6[%get3A_21, %get3A_22] : memref<64x1xf32, #tpu.memory_space<vmem>>, vector<64x1xf32>
    %add3A_24 = vector.broadcast %get3A_23 : vector<64x1xf32> to vector<64x1024xf32>
    %add3A_25 = arith.addf %transpose3A, %add3A_24 : vector<64x1024xf32>
    %slice3A = vector.extract_strided_slice %add3A_25 {offsets = [0, 0], sizes = [64, 512], strides = [1, 1]} : vector<64x1024xf32> to vector<64x512xf32>
    %swap3A_26 = arith.constant 0 : index
    %swap3A_27 = arith.constant 0 : index
    %swap3A_28 = arith.constant 0 : index
    %swap3A_29 = vector.load %arg8[%swap3A_26, %swap3A_27, %swap3A_28] : memref<2x64x512xf32, #tpu.memory_space<vmem>>, vector<1x64x512xf32>
    %swap3A_30 = vector.shape_cast %swap3A_29 : vector<1x64x512xf32> to vector<64x512xf32>
    %swap3A_31 = vector.shape_cast %slice3A : vector<64x512xf32> to vector<1x64x512xf32>
    tpu.vector_store %arg8[%swap3A_26, %swap3A_27, %swap3A_28], %swap3A_31 {strides = array<i32>} : memref<2x64x512xf32, #tpu.memory_space<vmem>>, vector<1x64x512xf32>,
    %slice3A_32 = vector.extract_strided_slice %add3A_25 {offsets = [0, 512], sizes = [64, 512], strides = [1, 1]} : vector<64x1024xf32> to vector<64x512xf32>
    %swap3A_33 = arith.constant 1 : index
    %swap3A_34 = arith.constant 0 : index
    %swap3A_35 = arith.constant 0 : index
    %swap3A_36 = vector.load %arg8[%swap3A_33, %swap3A_34, %swap3A_35] : memref<2x64x512xf32, #tpu.memory_space<vmem>>, vector<1x64x512xf32>
    %swap3A_37 = vector.shape_cast %swap3A_36 : vector<1x64x512xf32> to vector<64x512xf32>
    %swap3A_38 = vector.shape_cast %slice3A_32 : vector<64x512xf32> to vector<1x64x512xf32>
    tpu.vector_store %arg8[%swap3A_33, %swap3A_34, %swap3A_35], %swap3A_38 {strides = array<i32>} : memref<2x64x512xf32, #tpu.memory_space<vmem>>, vector<1x64x512xf32>,
    return
  }
  func.func @transform_0(%arg0: i32) -> (i32, i32) {
    %add3A = arith.constant 0 : i32
    %add3A_0 = arith.addi %arg0, %add3A : i32
    %c0_i32 = arith.constant 0 : i32
    %c0_i32_1 = arith.constant 0 : i32
    return %add3A_0, %c0_i32 : i32, i32
  }
  func.func @transform_1(%arg0: i32) -> (i32, i32) {
    %add3A = arith.constant 0 : i32
    %add3A_0 = arith.addi %arg0, %add3A : i32
    %c1_i32 = arith.constant 1 : i32
    %c0_i32 = arith.constant 0 : i32
    return %add3A_0, %c1_i32 : i32, i32
  }
  func.func @transform_2(%arg0: i32) -> (i32, i32) {
    %c0_i32 = arith.constant 0 : i32
    %c0_i32_0 = arith.constant 0 : i32
    %c0_i32_1 = arith.constant 0 : i32
    return %c0_i32, %c0_i32_0 : i32, i32
  }
  func.func @transform_3(%arg0: i32) -> (i32, i32) {
    %c0_i32 = arith.constant 0 : i32
    %c1_i32 = arith.constant 1 : i32
    %c0_i32_0 = arith.constant 0 : i32
    return %c0_i32, %c1_i32 : i32, i32
  }
  func.func @transform_4(%arg0: i32) -> (i32, i32) {
    %c0_i32 = arith.constant 0 : i32
    %c0_i32_0 = arith.constant 0 : i32
    %c0_i32_1 = arith.constant 0 : i32
    return %c0_i32, %c0_i32_0 : i32, i32
  }
  func.func @transform_5(%arg0: i32) -> (i32, i32) {
    %c0_i32 = arith.constant 0 : i32
    %c0_i32_0 = arith.constant 0 : i32
    %c0_i32_1 = arith.constant 0 : i32
    return %c0_i32, %c0_i32_0 : i32, i32
  }
  func.func @transform_6(%arg0: i32) -> (i32, i32) {
    %add3A = arith.constant 0 : i32
    %add3A_0 = arith.addi %arg0, %add3A : i32
    %c0_i32 = arith.constant 0 : i32
    %c0_i32_1 = arith.constant 0 : i32
    return %add3A_0, %c0_i32 : i32, i32
  }
  func.func @transform_7(%arg0: i32) -> (i32, i32, i32) {
    %c0_i32 = arith.constant 0 : i32
    %c0_i32_0 = arith.constant 0 : i32
    %c0_i32_1 = arith.constant 0 : i32
    return %arg0, %c0_i32, %c0_i32_0 : i32, i32, i32
  }
}

</mosaic_0001>

<sc_bundles>
// kernel: kernel.4.cloned.1.call-start
scs
__scs_entry_jumppad:
0x0: {  	(pc) =	sbr.rel $0x88, $3  }
0x1: {  	(tag) =	ssettag $0x0;
	lr =	simm.s32 $0x1  }
0x2: {  	[smem:$0x3F9E] =	sst lr;
	_ =	strace $0xD0000000  }
0x3: {  	_ = 	snop  }
0x4: {  	_ = 	snop  }
0x5: {  	_ = 	snop  }
0x6: {  	_ = 	snop  }
0x7: {  	_ = 	snop  }
__scs_overlays_trampoline_lowered:
0x8: {  	[smem:$0x3FAD] =	sst s0  }
0x9: {  	[smem:$0x3FAE] =	sst s1  }
0xa: {  	[smem:$0x3FAF] =	sst s2  }
0xb: {  	[smem:$0x3FB0] =	sst s3  }
0xc: {  	[smem:$0x3FB1] =	sst s4  }
0xd: {  	[smem:$0x3FB2] =	sst s5  }
0xe: {  	[smem:$0x3FB3] =	sst s6  }
0xf: {  	[smem:$0x3FB4] =	sst s7  }
0x10: {  	[smem:$0x3FB5] =	sst s8  }
0x11: {  	[smem:$0x3FB6] =	sst s9;
	s0 =	simm.s32 @!p0 $0x0  }
0x12: {  	s1 =	sld [smem:$0x3F9C];
	s0 =	simm.s32 @p0 $0x1  }
0x13: {  	[smem:$0x3FB7] =	sst s0;
	s0 =	simm.s32 @!p1 $0x0  }
0x14: {  	s2 =	sld [smem:$0x3F9B];
	s0 =	simm.s32 @p1 $0x1  }
0x15: {  	[smem:$0x3FB8] =	sst s0;
	s0 =	simm.s32 @!p2 $0x0  }
0x16: {  	s3 =	sld [smem:$0x3FDB];
	s0 =	simm.s32 @p2 $0x1  }
0x17: {  	s4 =	simm.s32 $0x1BF5;
	[smem:$0x3FBA] =	sst s0  }
0x18: {  	s0 =	sld [smem:$0x3F9D];
	_ =	swait.ge [sflag:s4], $0x0  }
0x19: {  	s7 =	sld [smem:$0x3F9E]  }
0x1a: {  	s8 =	sadd.s32 $0xFFFFE003, lr  }
0x1b: {  	s9 =	sadd.s32 $0xFFFFFEF7, lr;
	s5 =	simm.s32 $0xFFFFFFFF;
	p2 =	slt.u32 s8, $0xFFFFF086  }
0x1c: {  	p1 =	slt.u32 s9, $0xF7A;
	s5 =	simm.s32 @!p2 $0x0  }
0x1d: {  	s5 =	simm.s32 @p1 $0x1;
	p0 =	seq.s32 s7, s2  }
0x1e: {  	s7 =	smul.u32 @!p0 $0xF7A, s2;
	p2 =	seq.s32 @!p0 s5, $0x0  }
0x1f: {  	s9 =	smul.u32 $0xF7A, s1;
	s8 =	simm.s32 @!p0 $0x1BF5;
	p2 =	por !p2, p0  }
0x20: {  	[sflag:s8] =	ssyncset.s32 @!p0 $0xFFFFF086;
	s6 =	sadd.s32 @!p0 s3, s7;
	s7 =	simm.s32 @!p0 $0x108  }
0x21: {  	s3 =	sadd.s32 s3, s9;
	s6 =	sadd.s32 @!p0 $0x88, s6;
	s7 =	simm.s32 @p2 $0x1082  }
0x22: {  	[simem:s7], [sflag:s8] =	dma.local @!p0 [hbm:s6], $0xF7A  }
0x23: {  	s9 =	sor.u32 $0xD0000000, s2;
	s6 =	simm.s32 $0x108;
	_ =	swait.ge @!p0 [sflag:s8], $0x0  }
0x24: {  	s3 =	sadd.s32 $0x88, s3;
	s6 =	simm.s32 @!p1 $0x1082;
	[sflag:s4] =	ssyncset.s32 $0xFFFFF086  }
0x25: {  	[simem:s6], [sflag:s4] =	dma.local [hbm:s3], $0xF7A  }
0x26: {  	[smem:$0x3F9E] =	sst s1;
	(tag) =	ssettag s2;
	_ =	strace s9  }
0x27: {  	s1 =	sld [smem:$0x3FAE]  }
0x28: {  	s2 =	sld [smem:$0x3FAF]  }
0x29: {  	s4 =	sld [smem:$0x3FB1]  }
0x2a: {  	p0 =	seq.s32 s5, $0x0;
	s5 =	sld [smem:$0x3FB2]  }
0x2b: {  	s6 =	sld [smem:$0x3FB3]  }
0x2c: {  	s7 =	sld [smem:$0x3FB4]  }
0x2d: {  	s3 =	simm.s32 $0x108;
	s8 =	sld [smem:$0x3FB5]  }
0x2e: {  	s3 =	simm.s32 @!p0 $0x1082;
	s9 =	sld [smem:$0x3FB6]  }
0x2f: {  	lr =	sadd.s32 s0, s3;
	s0 =	sld [smem:$0x3FAD]  }
0x30: {  	s3 =	sld [smem:$0x3FB0]  }
0x31: {  	[smem:$0x3FB9] =	sst s10  }
0x32: {  	s10 =	sld [smem:$0x3FB7];
	_ =	sdelay $0x3  }
0x33: {  	p0 =	seq.s32 s10, $0x1;
	s10 =	sld [smem:$0x3FB9];
	_ =	sdelay $0x3  }
0x34: {  	[smem:$0x3FB9] =	sst s10  }
0x35: {  	s10 =	sld [smem:$0x3FB8];
	_ =	sdelay $0x3  }
0x36: {  	p1 =	seq.s32 s10, $0x1;
	s10 =	sld [smem:$0x3FB9];
	_ =	sdelay $0x3  }
0x37: {  	[smem:$0x3FB9] =	sst s10  }
0x38: {  	s10 =	sld [smem:$0x3FBA]  }
0x39: {  	_ = 	snop;
	(pc) =	sbr.ind lr, $3  }
0x3a: {  	_ = 	snop  }
0x3b: {  	_ = 	snop  }
0x3c: {  	p2 =	seq.s32 s10, $0x1;
	s10 =	sld [smem:$0x3FB9]  }
0x3d: {  	_ =	shalt  }
0x3e: {  	_ =	shalt  }
0x3f: {  	_ =	shalt  }
0x40: {  	_ =	shalt  }
0x41: {  	_ =	shalt  }
0x42: {  	_ =	shalt  }
0x43: {  	_ =	shalt  }
0x44: {  	_ =	shalt  }
0x45: {  	_ =	shalt  }
0x46: {  	_ =	shalt  }
0x47: {  	_ =	shalt  }
0x48: {  	_ =	shalt  }
0x49: {  	_ =	shalt  }
0x4a: {  	_ =	shalt  }
0x4b: {  	_ =	shalt  }
0x4c: {  	_ =	shalt  }
0x4d: {  	_ =	shalt  }
0x4e: {  	_ =	shalt  }
0x4f: {  	_ =	shalt  }
0x50: {  	_ =	shalt  }
0x51: {  	_ =	shalt  }
0x52: {  	_ =	shalt  }
0x53: {  	_ =	shalt  }
0x54: {  	_ =	shalt  }
0x55: {  	_ =	shalt  }
0x56: {  	_ =	shalt  }
0x57: {  	_ =	shalt  }
0x58: {  	_ =	shalt  }
0x59: {  	_ =	shalt  }
0x5a: {  	_ =	shalt  }
0x5b: {  	_ =	shalt  }
0x5c: {  	_ =	shalt  }
0x5d: {  	_ =	shalt  }
0x5e: {  	_ =	shalt  }
0x5f: {  	_ =	shalt  }
0x60: {  	_ =	shalt  }
0x61: {  	_ =	shalt  }
0x62: {  	_ =	shalt  }
0x63: {  	_ =	shalt  }
0x64: {  	_ =	shalt  }
0x65: {  	_ =	shalt  }
0x66: {  	_ =	shalt  }
0x67: {  	_ =	shalt  }
0x68: {  	_ =	shalt  }
0x69: {  	_ =	shalt  }
0x6a: {  	_ =	shalt  }
0x6b: {  	_ =	shalt  }
0x6c: {  	_ =	shalt  }
0x6d: {  	_ =	shalt  }
0x6e: {  	_ =	shalt  }
0x6f: {  	_ =	shalt  }
0x70: {  	_ =	shalt  }
0x71: {  	_ =	shalt  }
0x72: {  	_ =	shalt  }
0x73: {  	_ =	shalt  }
0x74: {  	_ =	shalt  }
0x75: {  	_ =	shalt  }
0x76: {  	_ =	shalt  }
0x77: {  	_ =	shalt  }
0x78: {  	_ =	shalt  }
0x79: {  	_ =	shalt  }
0x7a: {  	_ =	shalt  }
0x7b: {  	_ =	shalt  }
0x7c: {  	_ =	shalt  }
0x7d: {  	_ =	shalt  }
0x7e: {  	_ =	shalt  }
0x7f: {  	_ =	shalt  }
0x80: {  	_ =	shalt  }
0x81: {  	_ =	shalt  }
0x82: {  	_ =	shalt  }
0x83: {  	_ =	shalt  }
0x84: {  	_ =	shalt  }
0x85: {  	_ =	shalt  }
0x86: {  	_ =	shalt  }
0x87: {  	_ =	shalt  }
.Lfunc_end0:
.L_simem_size_0:
called_computation_lowered:
.L_overlay_start_0:
0x88: {  	s2 =	sld [smem:$0x3FD9]  }
0x89: {  	s3 =	sld [smem:$0x3FFE];
	_ =	sdelay $0x1  }
0x8a: {  	s1 =	srdreg.scid  }
0x8b: {  	s0 =	sand.u32 $0x1, s1  }
0x8c: {  	s14 =	sshll.u32 s0, $0xA;
	s2 =	sadd.s32 s3, s2  }
0x8d: {  	s2 =	sadd.s32 s2, s14  }
0x8e: {  	[smem:$0x3FC5] =	sst s2  }
0x8f: {  	_ = 	snop  }
0x90: {  	s2 =	sld [smem:$0x3FD0];
	_ =	sdelay $0x2  }
0x91: {  	s15 =	simm.s32 $0xA;
	s4 =	simm.s32 $0x10  }
0x92: {  	[smem:s4], [sflag:s15] =	dma.local [hbm:s2], $0x1  }
0x93: {  	_ =	swait.eq [sflag:s15], $0x1  }
0x94: {  	[sflag:s15] =	ssyncset.done $0x0  }
0x95: {  	s16 =	sld [smem:$0x10];
	[sflag:s15] =	ssyncadd.s32 $0xFFFFFFFF  }
0x96: {  	s17 =	sld [smem:$0x11];
	(tm) =	ssettm $0x1  }
0x97: {  	s18 =	sld [smem:$0x3FFB];
	_ =	sdelay $0x3  }
0x98: {  	_ =	strace s18  }
0x99: {  	s4 =	sld [smem:$0x3FFC];
	_ =	sdelay $0x3  }
0x9a: {  	_ =	strace s4  }
0x9b: {  	s4 =	sld [smem:$0x3FFD];
	_ =	sdelay $0x3  }
0x9c: {  	_ =	strace s4  }
0x9d: {  	_ =	strace $0x8FFFFFFF  }
0x9e: {  	s19 =	sld [smem:$0x3FDB];
	_ =	sdelay $0x1  }
0x9f: {  	s5 =	simm.s32 $_scs_section_size  }
0xa0: {  	s6 =	simm.s32 $_size__tile_overlayer_lowered;
	s7 =	simm.s32 $_tile_overlayer_lowered  }
0xa1: {  	s22 =	simm.s32 $0x1BFF;
	s21 =	sshll.u32 s7, $0x1;
	s4 =	sadd.s32 s5, s19  }
0xa2: {  	s8 =	simm.s32 $0x0;
	s20 =	sshll.u32 s6, $0x1;
	s6 =	sadd.s32 s21, s4  }
0xa3: {  	[timem:s8], [sflag:s22] =	dma.local [hbm:s6], s20  }
0xa4: {  	_ =	swait.ge [sflag:s22], s20  }
0xa5: {  	s5 =	ssub.s32 $0x0, s20;
	[sflag:s22] =	ssyncset.done $0x0  }
0xa6: {  	[sflag:s22] =	ssyncadd.s32 s5;
	_ =	sdelay $0x1  }
0xa7: {  	s23 =	simm.s32 $0x1B8B  }
0xa8: {  	_ =	swait.ge [sflag:s23], $0x1  }
0xa9: {  	[sflag:s23] =	ssyncset.done $0x0  }
0xaa: {  	s25 =	simm.s32 $0x1B8E;
	s24 =	sld [smem:$0x3FFE];
	[sflag:s23] =	ssyncadd.s32 $0xFFFFFFFF  }
0xab: {  	s26 =	simm.s32 $execute0_lowered;
	[smem:$0x3FD2] =	sst s25  }
0xac: {  	s6 =	sshll.u32 s26, $0x1;
	_ =	strace $0x80000046;
	[dreg:$0x1] =	wrdreg $0xFFFFFFFF  }
0xad: {  	s28 =	simm.s32 $_size_execute0_lowered;
	s4 =	sadd.s32 s4, s6;
	[dreg:$0x0] =	wrdreg $0x0  }
0xae: {  	s6 =	sshll.u32 s28, $0x1;
	[dreg:$0x2] =	wrdreg s4  }
0xaf: {  	[dreg:$0x3] =	wrdreg s6  }
0xb0: {  	[dreg:$0x4] =	wrdreg $0xC0  }
0xb1: {  	_ =	task [dreg:s8], $0x5FFFF  }
0xb2: {  	[dreg:$0x1] =	wrdreg $0xFFFFFFFF  }
0xb3: {  	[dreg:$0x0] =	wrdreg $0x60  }
0xb4: {  	[dreg:$0x2] =	wrdreg s24  }
0xb5: {  	[dreg:$0x3] =	wrdreg s16  }
0xb6: {  	[dreg:$0x4] =	wrdreg s17  }
0xb7: {  	[dreg:$0x5] =	wrdreg $0x9  }
0xb8: {  	_ =	task.clear_ibuf [dreg:s8], $0x6FFFF;
	_ =	strace $0x90000046  }
0xb9: {  	s29 =	simm.s32 $0x9;
	_ =	strace $0x80000048  }
0xba: {  	_ =	swait.ge [sflag:s29], $0x1  }
0xbb: {  	[sflag:s29] =	ssyncadd.s32 $0xFFFFFFFF  }
0xbc: {  	_ =	strace $0x90000048  }
0xbd: {  	_ =	sfence  }
0xbe: {  	s30 =	sld [smem:$0x0];
	_ =	sdelay $0x2  }
0xbf: {  	s31 =	sshll.u32 s1, $0xD;
	s1 =	sshrl.u32 s1, $0x2  }
0xc0: {  	s3 =	sand.u32 $0x4000, s31;
	s1 =	sadd.s32 s1, s30  }
0xc1: {  	s0 =	sor.u32 s3, s0;
	s1 =	sshll.u32 s1, $0x11  }
0xc2: {  	s0 =	sor.u32 s1, s0  }
0xc3: {  	s0 =	sadd.s32 $0x8F2B, s0  }
0xc4: {  	[sflag:s0] =	ssyncadd.remote.s32 $0x1  }
0xc5: {  	_ =	sfence.sel $0xFFFF  }
0xc6: {  	[dreg:$0x0] =	wrdreg $0xFFFFFFFF;
	(pc) =	sbr.abs _section_cstart, $3  }
0xc7: {  	[dreg:$0x1] =	wrdreg $0xFFFFFFFF  }
0xc8: {  	_ =	task.clear_ibuf [dreg:s8], $0x2FFFF;
	_ =	strace $0x9FFFFFFF  }
0xc9: {  	(tm) =	ssettm $0x7FFFFFFF  }
tec
execute0_lowered:
.L_overlay_start_1:
0x0: {  	(tag) =	ssettag $0x1  }
0x1: {  	s3 =	rddreg [dreg:$0x0]  }
0x2: {  	s4 =	rddreg [dreg:$0x1]  }
0x3: {  	s5 =	rddreg [dreg:$0x2]  }
0x4: {  	s0 =	rddreg [dreg:$0x3];
	s6 =	srdreg.scid  }
0x5: {  	s1 =	stileid.u32;
	s2 =	simm.s32 $0x0;
	s9 =	simm.s32 $0x8800  }
0x6: {  	s10 =	simm.s32 $0x0;
	s6 =	sand.u32 $0x1, s6;
	s7 =	sshll.u32 s1, $0x1  }
0x7: {  	[smem:$0x7FF] =	sst s2;
	s7 =	sor.u32 s6, s7;
	s6 =	ssub.s32 $0x2, s6  }
0x8: {  	_ =	strace $0x80000047;
	s8 =	sshll.u32 s7, $0xC;
	s31 =	sshrl.u32 s6, $0x1  }
0x9: {  	s7 =	sshll.u32 s7, $0x8;
	s3 =	sadd.s32 s8, s3;
	s6 =	ssub.s32 s6, s31  }
0xa: {  	s4 =	sadd.s32 s4, s7;
	s5 =	sadd.s32 s5, s7;
	s7 =	simm.s32 $0x1  }
0xb: {  	s8 =	simm.s32 $0x8000;
	s3 =	sadd.s32 $0x1000, s3;
	s6 =	smax.u32 s6, $0x1  }
.LBB2_1:
0xc: {  	[tilespmem:s2], [sflag:$0x1] =	stream.linear.gather [hbm4b:s3+s2], $0x8000, $0x38;
	[tilespmem:$0x9000] =	vst v63  }
0xd: {  	_ =	swait.ge [sflag:s7], $0x8000  }
0xe: {  	[sflag:s7] =	ssyncset.done $0x0  }
0xf: {  	s11 =	simm.s32 $0x0;
	[sflag:s7] =	ssyncadd.s32 $0xFFFF8000  }
.LBB2_2:
0x10: {  	s12 =	sshll.u32 s11, $0x8;
	s17 =	simm.s32 $0x0  }
0x11: {  	s13 =	sshll.u32 s11, $0x5;
	s18 =	sand.u32 $0xC00, s12;
	s31 =	sand.u32 $0x7000, s17  }
0x12: {  	s15 =	sand.u32 $0x60, s13;
	s16 =	sor.u32 s31, s18  }
0x13: {  	s19 =	sand.u32 $0x380, s17;
	s12 =	sadd.s32 s15, s16  }
0x14: {  	s12 =	sadd.s32 s19, s12  }
0x15: {  	v19 =	vld [tilespmem:s12+$0x0];
	s12 =	sor.u32 $0x10, s13  }
0x16: {  	v15 =	vimm.f32 $-Inf;
	v3 =	vimm.s32 $0x0;
	v11 =	vimm.f32 $-Inf;
	s14 =	sand.u32 $0x70, s12  }
0x17: {  	v17 =	vimm.f32 $-Inf;
	v4 =	vimm.s32 $0x0;
	v10 =	vimm.f32 $-Inf;
	s16 =	sadd.s32 s14, s16  }
0x18: {  	v9 =	vimm.s32 $0x0;
	v5 =	vimm.s32 $0x0;
	v12 =	vimm.f32 $-Inf;
	s16 =	sadd.s32 s19, s16  }
0x19: {  	v14 =	vimm.f32 $-Inf;
	v0 =	vimm.s32 $0x0;
	v6 =	vimm.s32 $0x0;
	v18 =	vld [tilespmem:s16+$0x0]  }
0x1a: {  	v2 =	vimm.s32 $0x0;
	v1 =	vimm.s32 $0x0;
	vm2 =	vgt.f32 v19, v15  }
0x1b: {  	v8 =	vimm.s32 $0x0;
	v21 =	vimm.f32 $-Inf;
	v7 =	vsel vm2, s17, v3  }
0x1c: {  	v16 =	vnsel vm2, s17, v3;
	v13 =	vsel vm2, v19, v15;
	v22 =	vsel vm2, v15, v19  }
0x1d: {  	s20 =	simm.s32 $0x200;
	s19 =	simm.s32 $0x1;
	s16 =	simm.s32 $0x0;
	v20 =	vsel vm2, v15, v19;
	vm1 =	vmmov vm2;
	vm0 =	vmmov vm2  }
.LBB2_3:
0x1e: {  	s21 =	sand.u32 $0x7000, s20;
	p0 =	sne.s32 s19, $0x3F;
	v15 =	vsel vm2, v22, v15;
	v3 =	vsel vm2, v16, v3;
	vm3 =	vgt.f32 v18, v11;
	s17 =	sadd.s32 $0x80, s17  }
0x1f: {  	v16 =	vsel vm1, v17, v19;
	v19 =	vnsel vm1, s16, v4;
	vm4 =	vgt.f32 v18, v10;
	s22 =	smov.u32 s19;
	s19 =	sadd.s32 $0x1, s19;
	s21 =	sor.u32 s21, s18  }
0x20: {  	v22 =	vnsel vm2, s16, v9;
	vm2 =	vgt.f32 v18, v12;
	s23 =	sand.u32 $0x380, s17;
	v5 =	vsel vm0, v19, v5;
	v9 =	vmovc v3;
	s24 =	sadd.s32 s15, s21;
	s21 =	sadd.s32 s14, s21  }
0x21: {  	vm5 =	vgt.f32 v18, v14;
	v4 =	vsel vm1, v22, v4;
	v22 =	vsel vm3, v11, v18;
	s24 =	sadd.s32 s23, s24;
	s21 =	sadd.s32 s23, s21  }
0x22: {  	v23 =	vsel vm5, v14, v18;
	v24 =	vsel vm2, v12, v18;
	v25 =	vnsel vm2, s16, v0;
	v19 =	vld [tilespmem:s24+$0x0]  }
0x23: {  	v6 =	vsel vm5, s16, v6;
	v12 =	vsel vm2, v22, v12;
	v10 =	vsel vm4, v24, v10;
	v26 =	vld [tilespmem:s21+$0x0]  }
0x24: {  	v14 =	vsel vm5, v18, v14;
	v18 =	vnsel vm3, s16, v2;
	v1 =	vsel vm4, v25, v1  }
.Ltmp0:
0x25: {  	v11 =	vsel vm3, v23, v11;
	v22 =	vnsel vm5, s16, v8;
	v0 =	vsel vm2, v18, v0;
	v8 =	vmovc v6;
	s16 =	smov.u32 s22;
	(pc) =	sbr.rel @p0 .LBB2_3-.Ltmp0, $4  }
0x26: {  	v17 =	vsel vm1, v20, v17;
	v21 =	vsel vm0, v16, v21;
	v2 =	vsel vm3, v22, v2  }
0x27: {  	vm3 =	vgt.f32 v19, v13;
	vm2 =	vgt.f32 v19, v15;
	vm0 =	vgt.f32 v19, v21  }
0x28: {  	vm1 =	vgt.f32 v19, v17;
	v16 =	vnsel vm3, s16, v7;
	v7 =	vsel vm3, s16, v7;
	v18 =	vmovc v26  }
0x29: {  	s20 =	sadd.s32 $0x200, s20;
	v22 =	vsel vm3, v13, v19;
	v13 =	vsel vm3, v19, v13;
	v20 =	vsel vm2, v15, v19  }
0x2a: {  	v15 =	vsel vm2, v22, v15  }
0x2b: {  	v15 =	vsub.f32 v15, v13  }
0x2c: {  	v20 =	vsel vm1, v20, v17  }
0x2d: {  	v34 =	vsel vm1, v17, v19;
	v35 =	vsub.f32 v20, v13;
	v15 =	vmul.f32 $1.442695020e+00, v15  }
0x2e: {  	v17 =	vsel vm0, v34, v21  }
0x2f: {  	v37 =	vsub.f32 v17, v13;
	v36 =	vmul.f32 $1.442695020e+00, v35;
	(erf) = vpow2.f32 v15;
	_ =	sdelay $0x1  }
0x30: {  	v13 =	vmul.f32 $1.442695020e+00, v37;
	(erf) = vpow2.f32 v36;
	_ =	sdelay $0x1  }
0x31: {  	(erf) = vpow2.f32 v13;
	_ =	sdelay $0x4  }
0x32: {  	v38 =	vpop (erf)  }
0x33: {  	vm6 =	vgt.f32 v18, v14;
	v39 =	vadd.f32 $1.000000000e+00, v38  }
0x34: {  	vm3 =	vgt.f32 v18, v11;
	v40 =	vsel vm6, v14, v18;
	v41 =	vpop (erf)  }
0x35: {  	v42 =	vsel vm6, v18, v14;
	v17 =	vsel vm3, v40, v11;
	v15 =	vadd.f32 v41, v39  }
0x36: {  	vm5 =	vgt.f32 v18, v12;
	v43 =	vsel vm3, v11, v18;
	v17 =	vsub.f32 v17, v42;
	v44 =	vpop (erf)  }
0x37: {  	vm4 =	vgt.f32 v18, v10;
	v11 =	vsel vm5, v43, v12;
	v15 =	vadd.f32 v44, v15  }
0x38: {  	v45 =	vsel vm5, v12, v18;
	v11 =	vsub.f32 v11, v42;
	v17 =	vmul.f32 $1.442695020e+00, v17  }
0x39: {  	v10 =	vsel vm4, v45, v10;
	(erf) = vrcp.f32 v15  }
0x3a: {  	v10 =	vsub.f32 v10, v42;
	v11 =	vmul.f32 $1.442695020e+00, v11;
	(erf) = vpow2.f32 v17;
	_ =	sdelay $0x1  }
0x3b: {  	v10 =	vmul.f32 $1.442695020e+00, v10;
	(erf) = vpow2.f32 v11;
	_ =	sdelay $0x1  }
0x3c: {  	(erf) = vpow2.f32 v10;
	_ =	sdelay $0x3  }
0x3d: {  	v46 =	vpop (erf)  }
0x3e: {  	v47 =	vpop (erf)  }
0x3f: {  	v48 =	vadd.f32 $1.000000000e+00, v47  }
0x40: {  	v49 =	vpop (erf)  }
0x41: {  	v12 =	vadd.f32 v49, v48  }
0x42: {  	s17 =	sshll.u32 s11, $0x7;
	v50 =	vpop (erf)  }
0x43: {  	s18 =	sand.u32 $0x600, s17;
	v12 =	vadd.f32 v50, v12  }
0x44: {  	s15 =	sor.u32 s15, s18  }
0x45: {  	v3 =	vsel vm2, v16, v3;
	v9 =	vnsel vm2, s16, v9;
	[tilespmem:s15+$0x8800] =	vst v7;
	(erf) = vrcp.f32 v12  }
0x46: {  	v53 =	vsel vm1, v9, v4;
	[tilespmem:s15+$0x8880] =	vst v3  }
0x47: {  	[tilespmem:s15+$0x8900] =	vst v53;
	v51 =	vmul.f32 v46, v38  }
0x48: {  	[tilespmem:s15+$0x8000] =	vst v46;
	v52 =	vmul.f32 v46, v41  }
0x49: {  	s13 =	sor.u32 s17, s13;
	v54 =	vmul.f32 v46, v44;
	[tilespmem:s15+$0x8080] =	vst v51  }
0x4a: {  	v55 =	vnsel vm1, s16, v4;
	s13 =	sor.u32 $0x180, s13;
	[tilespmem:s15+$0x8100] =	vst v52  }
0x4b: {  	v3 =	vsel vm0, v55, v5;
	[tilespmem:s13+$0x8000] =	vst v54  }
0x4c: {  	v57 =	vsel vm6, s16, v6;
	v59 =	vnsel vm6, s16, v8;
	s31 =	sor.u32 s18, s14;
	[tilespmem:s13+$0x8800] =	vst v3  }
0x4d: {  	v62 =	vnsel vm3, s16, v2;
	v60 =	vsel vm3, v59, v2;
	[tilespmem:s31+$0x8800] =	vst v57  }
0x4e: {  	s11 =	sadd.s32 $0x1, s11;
	v2 =	vsel vm5, v62, v0;
	[tilespmem:s31+$0x8880] =	vst v60;
	v56 =	vpop (erf)  }
0x4f: {  	p0 =	sne.s32 s11, $0x10;
	[tilespmem:s31+$0x8900] =	vst v2;
	v58 =	vmul.f32 v56, v47  }
.Ltmp1:
0x50: {  	[tilespmem:s31+$0x8000] =	vst v56;
	v61 =	vmul.f32 v56, v49;
	(pc) =	sbr.rel @p0 .LBB2_2-.Ltmp1, $4  }
0x51: {  	s12 =	sor.u32 s12, s17;
	v3 =	vmul.f32 v56, v50;
	[tilespmem:s31+$0x8080] =	vst v58  }
0x52: {  	v63 =	vnsel vm5, s16, v0;
	s12 =	sor.u32 $0x180, s12;
	[tilespmem:s31+$0x8100] =	vst v61  }
0x53: {  	v0 =	vsel vm4, v63, v1;
	[tilespmem:s12+$0x8000] =	vst v3  }
0x54: {  	[tilespmem:s12+$0x8800] =	vst v0  }
0x55: {  	[hbm4b:s4+s2] =	stream.linear.scatter [tilespmem:s8], [sflag:$0x1], $0x800, $0x38;
	[tilespmem:$0x9000] =	vst v63  }
0x56: {  	s10 =	sadd.s32 $0x1, s10;
	_ =	swait.ge [sflag:s7], $0x800  }
0x57: {  	p0 =	sne.s32 s10, s6;
	[sflag:s7] =	ssyncset.done $0x0  }
.Ltmp2:
0x58: {  	[sflag:s7] =	ssyncadd.s32 $0xFFFFF800;
	(pc) =	sbr.rel @p0 .LBB2_1-.Ltmp2, $4  }
0x59: {  	[hbm4b:s5+s2] =	stream.linear.scatter [tilespmem:s9], [sflag:$0x1], $0x800, $0x38;
	[tilespmem:$0x9000] =	vst v63  }
0x5a: {  	_ =	swait.ge [sflag:s7], $0x800  }
0x5b: {  	[sflag:s7] =	ssyncset.done $0x0  }
0x5c: {  	[sflag:s7] =	ssyncadd.s32 $0xFFFFF800  }
0x5d: {  	_ =	sfence.sel $0x180000  }
0x5e: {  	[bflag:$0x0] =	sbarrier.arrive $0xFFFF  }
0x5f: {  	p0 =	sne.s32 s1, $0x0;
	_ =	strace $0x90000047  }
0x60: {  	s0 =	sadd.s32 @!p0 $0x100000, s0;
	[bflag:$0x2] =	sbarrier.arrive $0xFFFF  }
0x61: {  	[sflag:s0] =	ssyncadd.tile.s32 @!p0 $0x1;
	_ =	shalt  }
.Lfunc_end2:
_tile_overlayer_lowered:
.L_overlay_start_2:
0x62: {  	(tag) =	ssettag $0x2  }
0x63: {  	s0 =	rddreg [dreg:$0x0];
	s2 =	stileid.u32  }
0x64: {  	s1 =	rddreg [dreg:$0x1];
	p0 =	sne.s32 s2, $0x0  }
0x65: {  	s3 =	rddreg [dreg:$0x2];
	[bflag:$0x3] =	sbarrier.arrive $0xFFFF;
	s2 =	simm.s32 @!p0 $0x1C01  }
0x66: {  	[timem:s3], [sflag:s2] =	dma.local @!p0 [hbm:s0], s1  }
0x67: {  	s0 =	simm.s32 @!p0 $0x1  }
0x68: {  	_ =	swait.ge @!p0 [sflag:s0], s1  }
0x69: {  	s1 =	ssub.s32 @!p0 $0x0, s1;
	[sflag:s0] =	ssyncset.done @!p0 $0x0  }
0x6a: {  	[sflag:s0] =	ssyncadd.s32 @!p0 s1  }
0x6b: {  	[bflag:$0x3] =	sbarrier.arrive $0xFFFF  }
0x6c: {  	_ =	shalt  }

</sc_bundles>
